<compile_context>
chip_gen: v7x
topology: tpu7x:2x2x1
jax: 0.10.2.dev20260603
libtpu: 0.0.44.dev20260713+nightly
codegen_flags: <defaults>
</compile_context>

<pallas_src>
import functools

import jax
import jax.numpy as jnp
from jax import lax
from jax.experimental import pallas as pl
from jax.experimental.pallas import tpu as pltpu
from jax.experimental.pallas import tpu_sc as plsc

VOCAB = 1000000
B = 4096
SEQ = 200
D = 64
DP = 128
NC = 2
NS = 16
NW = NC * NS
BPW = B // NW
K = 100
CPW = BPW * 2
LANES = 16
CBH = 8064
HALF = 499968


def _prep_body(lt_ref, rt_ref, out_ref):
    i0 = lax.broadcasted_iota(jnp.int32, (D, D), 0)
    i1 = lax.broadcasted_iota(jnp.int32, (D, D), 1)
    ident = jnp.where(i0 == i1, jnp.float32(1.0 / SEQ), 0.0)
    dims = (((0,), (0,)), ((), ()))
    xl = lax.dot_general(lt_ref[...], ident, dims,
                         preferred_element_type=jnp.float32)
    xr = lax.dot_general(rt_ref[...], ident, dims,
                         preferred_element_type=jnp.float32)
    out_ref[...] = jnp.concatenate([xl, xr], axis=1)


def _prep(tableT):
    nblk = HALF // CBH
    grid = (nblk + 1,)

    def lmap(i):
        return (0, jnp.where(i < nblk, i, 2 * nblk))

    def rmap(i):
        return (0, jnp.where(i < nblk, i + nblk, 2 * nblk))

    return pl.pallas_call(
        _prep_body,
        grid=grid,
        in_specs=[
            pl.BlockSpec((D, CBH), lmap),
            pl.BlockSpec((D, CBH), rmap),
        ],
        out_specs=pl.BlockSpec((CBH, DP), lambda i: (i, 0)),
        out_shape=jax.ShapeDtypeStruct(((nblk + 1) * CBH, DP), jnp.float32),
    )(tableT, tableT)


def _pool_body(idx_hbm, table_hbm, out_hbm, idx_v, rows_v, acc_v, sem0, sem1):
    wid = lax.axis_index("s") * NC + lax.axis_index("c")
    pltpu.sync_copy(idx_hbm.at[wid], idx_v)

    sems = (sem0, sem1)
    pltpu.async_copy(table_hbm.at[idx_v.at[0]], rows_v.at[0], sems[0])
    pltpu.async_copy(table_hbm.at[idx_v.at[1]], rows_v.at[1], sems[1])

    def row_pair(i):
        acc = (jnp.zeros((LANES,), jnp.float32),) * 4

        def one_chunk(par, j, acc):
            pltpu.make_async_copy(
                table_hbm.at[idx_v.at[j]], rows_v.at[par], sems[par]
            ).wait()

            def rbody(r, a):
                a0, a1, a2, a3 = a
                a0 = a0 + rows_v[par, r, 0:16]
                a1 = a1 + rows_v[par, r, 16:32]
                a2 = a2 + rows_v[par, r, 32:48]
                a3 = a3 + rows_v[par, r, 48:64]
                return (a0, a1, a2, a3)

            acc = lax.fori_loop(0, K, rbody, acc, unroll=2)

            @pl.when(j + 2 < CPW)
            def _():
                pltpu.async_copy(
                    table_hbm.at[idx_v.at[j + 2]], rows_v.at[par], sems[par]
                )

            return acc

        acc = one_chunk(0, i * 2, acc)
        acc = one_chunk(1, i * 2 + 1, acc)
        acc_v[i, 0:16] = acc[0]
        acc_v[i, 16:32] = acc[1]
        acc_v[i, 32:48] = acc[2]
        acc_v[i, 48:64] = acc[3]

    pl.loop(0, BPW)(row_pair)

    pltpu.sync_copy(acc_v, out_hbm.at[pl.ds(wid * BPW, BPW)])


def _pool(idx, table_p):
    mesh = plsc.VectorSubcoreMesh(core_axis_name="c", subcore_axis_name="s")
    kfn = pl.kernel(
        _pool_body,
        mesh=mesh,
        compiler_params=pltpu.CompilerParams(use_tc_tiling_on_sc=False),
        out_type=jax.ShapeDtypeStruct((B, D), jnp.float32),
        scratch_types=[
            pltpu.VMEM((CPW, K), jnp.int32),
            pltpu.VMEM((2, K, D), jnp.float32),
            pltpu.VMEM((BPW, D), jnp.float32),
            pltpu.SemaphoreType.DMA,
            pltpu.SemaphoreType.DMA,
        ],
    )
    return kfn(idx, table_p)


def _mlp_body(x_ref, w1_ref, b1_ref, w2_ref, b2_ref, wc_ref, bc_ref, o_ref):
    x = x_ref[...]
    h = jnp.dot(x, w1_ref[...], preferred_element_type=jnp.float32)
    h = jnp.maximum(h + b1_ref[...], 0.0)
    h = jnp.dot(h, w2_ref[...], preferred_element_type=jnp.float32)
    h = jnp.maximum(h + b2_ref[...], 0.0)
    o = jnp.dot(h, wc_ref[...], preferred_element_type=jnp.float32)
    o_ref[...] = jax.nn.sigmoid(o + bc_ref[...])


def _mlp(x, W1, b1, W2, b2, Wc, bc):
    bm = 512
    grid = (B // bm,)
    return pl.pallas_call(
        _mlp_body,
        grid=grid,
        in_specs=[
            pl.BlockSpec((bm, D), lambda i: (i, 0)),
            pl.BlockSpec(W1.shape, lambda i: (0, 0)),
            pl.BlockSpec(b1.shape, lambda i: (0, 0)),
            pl.BlockSpec(W2.shape, lambda i: (0, 0)),
            pl.BlockSpec(b2.shape, lambda i: (0, 0)),
            pl.BlockSpec(Wc.shape, lambda i: (0, 0)),
            pl.BlockSpec(bc.shape, lambda i: (0, 0)),
        ],
        out_specs=pl.BlockSpec((bm, Wc.shape[1]), lambda i: (i, 0)),
        out_shape=jax.ShapeDtypeStruct((B, Wc.shape[1]), jnp.float32),
    )(x, W1, b1, W2, b2, Wc, bc)


@jax.jit
def kernel(inputs, table, W1, b1, W2, b2, Wc, bc):
    i = inputs.astype(jnp.int32)
    q = jnp.where(
        i < HALF,
        2 * i,
        jnp.where(i < 2 * HALF, 2 * i - (2 * HALF - 1), 2 * i - 2 * HALF),
    )
    idx = q.reshape(NW, CPW, K)
    nrows = 2 * (HALF // CBH + 1) * CBH
    table_p = _prep(table.T).reshape(nrows, D)
    pooled = _pool(idx, table_p)
    out = _mlp(
        pooled,
        W1,
        b1.reshape(1, -1),
        W2,
        b2.reshape(1, -1),
        Wc,
        bc.reshape(1, -1),
    )
    return out

# --- scband reference (transcript-rebuilt; emitter-appended) ---
"""Pipeline reference for scband-wiki-classifier-23725399343665 (READ-ONLY COPY).

The authoritative reference and input builder live on the scoring server;
editing this copy changes nothing except your own understanding.
"""

import jax, jax.numpy as jnp
import numpy as np

VOCAB = 1000000
MAX_SIZE = 200
BATCH = 4096
EMBED_DIM = 64
TOPICS = 50
HIDDEN = 128


def setup_inputs(seed: int = 0) -> dict:
    key = jax.random.key(seed)
    ks = jax.random.split(key, 8)
    inputs = jax.random.randint(ks[0], (BATCH, MAX_SIZE), 0, VOCAB, dtype=jnp.int64 if jax.config.jax_enable_x64 else jnp.int32)
    table = jax.random.normal(ks[1], (VOCAB, EMBED_DIM), dtype=jnp.float32) * 0.02
    W1 = jax.random.normal(ks[2], (EMBED_DIM, HIDDEN), dtype=jnp.float32) * 0.05
    b1 = jnp.zeros((HIDDEN,), dtype=jnp.float32)
    W2 = jax.random.normal(ks[3], (HIDDEN, EMBED_DIM), dtype=jnp.float32) * 0.05
    b2 = jnp.zeros((EMBED_DIM,), dtype=jnp.float32)
    Wc = jax.random.normal(ks[4], (EMBED_DIM, TOPICS), dtype=jnp.float32) * 0.05
    bc = jnp.zeros((TOPICS,), dtype=jnp.float32)
    return {"inputs": inputs, "table": table, "W1": W1, "b1": b1, "W2": W2, "b2": b2, "Wc": Wc, "bc": bc}


def reference(inputs, table, W1, b1, W2, b2, Wc, bc):
    # Embedding lookup: [B, L] -> [B, L, D]
    x = jnp.take(table, inputs, axis=0)
    # GlobalAveragePooling1D over the sequence axis
    x = jnp.mean(x, axis=1)
    # Dense(128, relu)
    x = jax.nn.relu(x @ W1 + b1)
    # Dropout is identity at inference (training=False)
    # Dense(embedding_dim, relu)
    x = jax.nn.relu(x @ W2 + b2)
    # Classifier: Dense(topics_size, sigmoid)
    out = jax.nn.sigmoid(x @ Wc + bc)
    return out

if __name__ == "__main__":
    import jax
    _d = setup_inputs()
    print(jax.jit(kernel)(*tuple(_d.values())))

</pallas_src>

<mosaic_0001>
#map = affine_map<(d0, d1) -> (0, 0, 0)>
#map1 = affine_map<(d0, d1) -> (0, 0)>
module attributes {stable_mosaic.version = 14 : i64} {
  func.func @_pool_body(%arg0: i32, %arg1: i32, %arg2: memref<32x256x100xi32, #tpu.memory_space<hbm>>, %arg3: memref<1016064x64xf32, #tpu.memory_space<hbm>>, %arg4: memref<4096x64xf32, #tpu.memory_space<hbm>>, %arg5: memref<256x100xi32, #tpu.memory_space<vmem>>, %arg6: memref<2x100x64xf32, #tpu.memory_space<vmem>>, %arg7: memref<128x64xf32, #tpu.memory_space<vmem>>, %arg8: memref<!tpu.dma_semaphore, #tpu.memory_space<semaphore_mem>>, %arg9: memref<!tpu.dma_semaphore, #tpu.memory_space<semaphore_mem>>) attributes {dimension_semantics = [#tpu.dimension_semantics<core_parallel>, #tpu.dimension_semantics<subcore_parallel>], iteration_bounds = array<i64: 2, 16>, scalar_prefetch = 0 : i64, scratch_operands = 5 : i64, tpu.core_type = #tpu.core_type<sc_vector_subcore>, window_params = [{transform_indices = #map}, {transform_indices = #map1}, {transform_indices = #map1}]} {
    %mul3A = arith.constant 2 : i32
    %mul3A_0 = arith.muli %arg1, %mul3A : i32
    %add3A = arith.addi %mul3A_0, %arg0 : i32
    "tpu.region"() ({
      %run_scoped3A = tpu.sem_alloc : memref<!tpu.dma_semaphore, #tpu.memory_space<semaphore_mem>>
      %dma_start3A_30 = arith.constant 0 : i32
      %dma_start3A_31 = arith.constant 0 : i32
      %dma_start3A_32 = tpu.memref_slice %arg2[%add3A, %dma_start3A_30, %dma_start3A_31] : memref<32x256x100xi32, #tpu.memory_space<hbm>> -> memref<1x256x100xi32, #tpu.memory_space<hbm>>
      %dma_start3A_33 = tpu.memref_squeeze %dma_start3A_32 : memref<1x256x100xi32, #tpu.memory_space<hbm>> -> memref<256x100xi32, #tpu.memory_space<hbm>>
      %dma_start3A_34 = arith.constant 0 : i32
      %dma_start3A_35 = arith.constant 0 : i32
      %dma_start3A_36 = tpu.memref_slice %arg2[%add3A, %dma_start3A_34, %dma_start3A_35] : memref<32x256x100xi32, #tpu.memory_space<hbm>> -> memref<1x256x100xi32, #tpu.memory_space<hbm>>
      %dma_start3A_37 = tpu.memref_squeeze %dma_start3A_36 : memref<1x256x100xi32, #tpu.memory_space<hbm>> -> memref<256x100xi32, #tpu.memory_space<hbm>>
      tpu.enqueue_dma source(%dma_start3A_37 : memref<256x100xi32, #tpu.memory_space<hbm>>) target(%arg5 : memref<256x100xi32, #tpu.memory_space<vmem>>) target_semaphore(%run_scoped3A : memref<!tpu.dma_semaphore, #tpu.memory_space<semaphore_mem>>)
      %dma_wait3A = arith.constant 0 : i32
      %dma_wait3A_38 = arith.constant 0 : i32
      %dma_wait3A_39 = tpu.memref_slice %arg2[%add3A, %dma_wait3A, %dma_wait3A_38] : memref<32x256x100xi32, #tpu.memory_space<hbm>> -> memref<1x256x100xi32, #tpu.memory_space<hbm>>
      %dma_wait3A_40 = tpu.memref_squeeze %dma_wait3A_39 : memref<1x256x100xi32, #tpu.memory_space<hbm>> -> memref<256x100xi32, #tpu.memory_space<hbm>>
      %dma_wait3A_41 = arith.constant 0 : i32
      %dma_wait3A_42 = arith.constant 0 : i32
      %dma_wait3A_43 = tpu.memref_slice %arg2[%add3A, %dma_wait3A_41, %dma_wait3A_42] : memref<32x256x100xi32, #tpu.memory_space<hbm>> -> memref<1x256x100xi32, #tpu.memory_space<hbm>>
      %dma_wait3A_44 = tpu.memref_squeeze %dma_wait3A_43 : memref<1x256x100xi32, #tpu.memory_space<hbm>> -> memref<256x100xi32, #tpu.memory_space<hbm>>
      tpu.wait_dma2 semaphore(%run_scoped3A : memref<!tpu.dma_semaphore, #tpu.memory_space<semaphore_mem>>) src(%dma_wait3A_44 : memref<256x100xi32, #tpu.memory_space<hbm>>) dst(%arg5 : memref<256x100xi32, #tpu.memory_space<vmem>>)
      tpu.yield
    }) : () -> ()
    %dma_start3A = arith.constant 0 : i32
    %dma_start3A_1 = arith.constant 0 : i32
    %dma_start3A_2 = arith.constant 0 : i32
    %dma_start3A_3 = arith.constant 0 : i32
    %dma_start3A_4 = tpu.memref_slice %arg6[%dma_start3A_1, %dma_start3A_2, %dma_start3A_3] : memref<2x100x64xf32, #tpu.memory_space<vmem>> -> memref<1x100x64xf32, #tpu.memory_space<vmem>>
    %dma_start3A_5 = tpu.memref_squeeze %dma_start3A_4 : memref<1x100x64xf32, #tpu.memory_space<vmem>> -> memref<100x64xf32, #tpu.memory_space<vmem>>
    %dma_start3A_6 = arith.constant 0 : i32
    %dma_start3A_7 = tpu.memref_slice %arg5[%dma_start3A, %dma_start3A_6] : memref<256x100xi32, #tpu.memory_space<vmem>> -> memref<1x100xi32, #tpu.memory_space<vmem>>
    %dma_start3A_8 = tpu.memref_squeeze %dma_start3A_7 : memref<1x100xi32, #tpu.memory_space<vmem>> -> memref<100xi32, #tpu.memory_space<vmem>>
    %dma_start3A_9 = arith.constant 0 : i32
    %dma_start3A_10 = arith.constant 0 : i32
    %dma_start3A_11 = tpu.memref_slice %arg3[%dma_start3A_9, %dma_start3A_10] : memref<1016064x64xf32, #tpu.memory_space<hbm>> -> memref<1016064x64xf32, #tpu.memory_space<hbm>>
    tpu.enqueue_indirect_dma source(%dma_start3A_11 : memref<1016064x64xf32, #tpu.memory_space<hbm>>) target(%dma_start3A_5 : memref<100x64xf32, #tpu.memory_space<vmem>>) offsets(%dma_start3A_8 : memref<100xi32, #tpu.memory_space<vmem>>) semaphore(%arg8 : memref<!tpu.dma_semaphore, #tpu.memory_space<semaphore_mem>>)
    %dma_start3A_12 = arith.constant 1 : i32
    %dma_start3A_13 = arith.constant 1 : i32
    %dma_start3A_14 = arith.constant 0 : i32
    %dma_start3A_15 = arith.constant 0 : i32
    %dma_start3A_16 = tpu.memref_slice %arg6[%dma_start3A_13, %dma_start3A_14, %dma_start3A_15] : memref<2x100x64xf32, #tpu.memory_space<vmem>> -> memref<1x100x64xf32, #tpu.memory_space<vmem>>
    %dma_start3A_17 = tpu.memref_squeeze %dma_start3A_16 : memref<1x100x64xf32, #tpu.memory_space<vmem>> -> memref<100x64xf32, #tpu.memory_space<vmem>>
    %dma_start3A_18 = arith.constant 0 : i32
    %dma_start3A_19 = tpu.memref_slice %arg5[%dma_start3A_12, %dma_start3A_18] : memref<256x100xi32, #tpu.memory_space<vmem>> -> memref<1x100xi32, #tpu.memory_space<vmem>>
    %dma_start3A_20 = tpu.memref_squeeze %dma_start3A_19 : memref<1x100xi32, #tpu.memory_space<vmem>> -> memref<100xi32, #tpu.memory_space<vmem>>
    %dma_start3A_21 = arith.constant 0 : i32
    %dma_start3A_22 = arith.constant 0 : i32
    %dma_start3A_23 = tpu.memref_slice %arg3[%dma_start3A_21, %dma_start3A_22] : memref<1016064x64xf32, #tpu.memory_space<hbm>> -> memref<1016064x64xf32, #tpu.memory_space<hbm>>
    tpu.enqueue_indirect_dma source(%dma_start3A_23 : memref<1016064x64xf32, #tpu.memory_space<hbm>>) target(%dma_start3A_17 : memref<100x64xf32, #tpu.memory_space<vmem>>) offsets(%dma_start3A_20 : memref<100xi32, #tpu.memory_space<vmem>>) semaphore(%arg9 : memref<!tpu.dma_semaphore, #tpu.memory_space<semaphore_mem>>)
    %scan3A = arith.constant 0 : i32
    %scan3A_24 = arith.constant 128 : i32
    %scan3A_25 = arith.addi %scan3A, %scan3A_24 : i32
    %scan3A_26 = arith.constant 1 : i32
    scf.for %scan3A_30 = %scan3A to %scan3A_25 step %scan3A_26  : i32 {
      %mul3A_31 = arith.constant 1 : i32
      %mul3A_32 = arith.muli %scan3A_30, %mul3A_31 : i32
      %add3A_33 = arith.constant 0 : i32
      %add3A_34 = arith.addi %add3A_33, %mul3A_32 : i32
      %broadcast_in_dim3A = arith.constant 0.000000e+00 : f32
      %broadcast_in_dim3A_35 = vector.broadcast %broadcast_in_dim3A : f32 to vector<16xf32>
      %mul3A_36 = arith.constant 2 : i32
      %mul3A_37 = arith.muli %add3A_34, %mul3A_36 : i32
      %dma_wait3A = arith.constant 0 : i32
      %dma_wait3A_38 = arith.constant 0 : i32
      %dma_wait3A_39 = arith.constant 0 : i32
      %dma_wait3A_40 = tpu.memref_slice %arg6[%dma_wait3A, %dma_wait3A_38, %dma_wait3A_39] : memref<2x100x64xf32, #tpu.memory_space<vmem>> -> memref<1x100x64xf32, #tpu.memory_space<vmem>>
      %dma_wait3A_41 = tpu.memref_squeeze %dma_wait3A_40 : memref<1x100x64xf32, #tpu.memory_space<vmem>> -> memref<100x64xf32, #tpu.memory_space<vmem>>
      %dma_wait3A_42 = arith.constant 0 : i32
      %dma_wait3A_43 = tpu.memref_slice %arg5[%mul3A_37, %dma_wait3A_42] : memref<256x100xi32, #tpu.memory_space<vmem>> -> memref<1x100xi32, #tpu.memory_space<vmem>>
      %dma_wait3A_44 = tpu.memref_squeeze %dma_wait3A_43 : memref<1x100xi32, #tpu.memory_space<vmem>> -> memref<100xi32, #tpu.memory_space<vmem>>
      %dma_wait3A_45 = arith.constant 0 : i32
      %dma_wait3A_46 = arith.constant 0 : i32
      %dma_wait3A_47 = tpu.memref_slice %arg3[%dma_wait3A_45, %dma_wait3A_46] : memref<1016064x64xf32, #tpu.memory_space<hbm>> -> memref<1016064x64xf32, #tpu.memory_space<hbm>>
      tpu.wait_indirect_dma semaphore(%arg8 : memref<!tpu.dma_semaphore, #tpu.memory_space<semaphore_mem>>) src(%dma_wait3A_47 : memref<1016064x64xf32, #tpu.memory_space<hbm>>) dst(%dma_wait3A_41 : memref<100x64xf32, #tpu.memory_space<vmem>>)
      %scan3A_48 = arith.constant 0 : i32
      %scan3A_49 = arith.constant 100 : i32
      %scan3A_50 = arith.addi %scan3A_48, %scan3A_49 : i32
      %scan3A_51 = arith.constant 2 : i32
      %scan3A_52:4 = scf.for %scan3A_105 = %scan3A_48 to %scan3A_50 step %scan3A_51 iter_args(%scan3A_106 = %broadcast_in_dim3A_35, %scan3A_107 = %broadcast_in_dim3A_35, %scan3A_108 = %broadcast_in_dim3A_35, %scan3A_109 = %broadcast_in_dim3A_35) -> (vector<16xf32>, vector<16xf32>, vector<16xf32>, vector<16xf32>)  : i32 {
        %get3A = arith.constant 0 : i32
        %get3A_110 = arith.index_cast %get3A : i32 to index
        %get3A_111 = arith.index_cast %scan3A_105 : i32 to index
        %get3A_112 = arith.constant 0 : index
        %get3A_113 = tpu.vector_load %arg6[%get3A_110, %get3A_111, %get3A_112] {strides = array<i32>} : memref<2x100x64xf32, #tpu.memory_space<vmem>>, vector<1x1x16xf32>,
        %get3A_114 = vector.shape_cast %get3A_113 : vector<1x1x16xf32> to vector<16xf32>
        %add3A_115 = arith.addf %scan3A_106, %get3A_114 : vector<16xf32>
        %get3A_116 = arith.constant 0 : i32
        %get3A_117 = arith.index_cast %get3A_116 : i32 to index
        %get3A_118 = arith.index_cast %scan3A_105 : i32 to index
        %get3A_119 = arith.constant 16 : index
        %get3A_120 = tpu.vector_load %arg6[%get3A_117, %get3A_118, %get3A_119] {strides = array<i32>} : memref<2x100x64xf32, #tpu.memory_space<vmem>>, vector<1x1x16xf32>,
        %get3A_121 = vector.shape_cast %get3A_120 : vector<1x1x16xf32> to vector<16xf32>
        %add3A_122 = arith.addf %scan3A_107, %get3A_121 : vector<16xf32>
        %get3A_123 = arith.constant 0 : i32
        %get3A_124 = arith.index_cast %get3A_123 : i32 to index
        %get3A_125 = arith.index_cast %scan3A_105 : i32 to index
        %get3A_126 = arith.constant 32 : index
        %get3A_127 = tpu.vector_load %arg6[%get3A_124, %get3A_125, %get3A_126] {strides = array<i32>} : memref<2x100x64xf32, #tpu.memory_space<vmem>>, vector<1x1x16xf32>,
        %get3A_128 = vector.shape_cast %get3A_127 : vector<1x1x16xf32> to vector<16xf32>
        %add3A_129 = arith.addf %scan3A_108, %get3A_128 : vector<16xf32>
        %get3A_130 = arith.constant 0 : i32
        %get3A_131 = arith.index_cast %get3A_130 : i32 to index
        %get3A_132 = arith.index_cast %scan3A_105 : i32 to index
        %get3A_133 = arith.constant 48 : index
        %get3A_134 = tpu.vector_load %arg6[%get3A_131, %get3A_132, %get3A_133] {strides = array<i32>} : memref<2x100x64xf32, #tpu.memory_space<vmem>>, vector<1x1x16xf32>,
        %get3A_135 = vector.shape_cast %get3A_134 : vector<1x1x16xf32> to vector<16xf32>
        %add3A_136 = arith.addf %scan3A_109, %get3A_135 : vector<16xf32>
        %scan3A_137 = arith.constant 1 : i32
        %scan3A_138 = arith.addi %scan3A_105, %scan3A_137 : i32
        %get3A_139 = arith.constant 0 : i32
        %get3A_140 = arith.index_cast %get3A_139 : i32 to index
        %get3A_141 = arith.index_cast %scan3A_138 : i32 to index
        %get3A_142 = arith.constant 0 : index
        %get3A_143 = tpu.vector_load %arg6[%get3A_140, %get3A_141, %get3A_142] {strides = array<i32>} : memref<2x100x64xf32, #tpu.memory_space<vmem>>, vector<1x1x16xf32>,
        %get3A_144 = vector.shape_cast %get3A_143 : vector<1x1x16xf32> to vector<16xf32>
        %add3A_145 = arith.addf %add3A_115, %get3A_144 : vector<16xf32>
        %get3A_146 = arith.constant 0 : i32
        %get3A_147 = arith.index_cast %get3A_146 : i32 to index
        %get3A_148 = arith.index_cast %scan3A_138 : i32 to index
        %get3A_149 = arith.constant 16 : index
        %get3A_150 = tpu.vector_load %arg6[%get3A_147, %get3A_148, %get3A_149] {strides = array<i32>} : memref<2x100x64xf32, #tpu.memory_space<vmem>>, vector<1x1x16xf32>,
        %get3A_151 = vector.shape_cast %get3A_150 : vector<1x1x16xf32> to vector<16xf32>
        %add3A_152 = arith.addf %add3A_122, %get3A_151 : vector<16xf32>
        %get3A_153 = arith.constant 0 : i32
        %get3A_154 = arith.index_cast %get3A_153 : i32 to index
        %get3A_155 = arith.index_cast %scan3A_138 : i32 to index
        %get3A_156 = arith.constant 32 : index
        %get3A_157 = tpu.vector_load %arg6[%get3A_154, %get3A_155, %get3A_156] {strides = array<i32>} : memref<2x100x64xf32, #tpu.memory_space<vmem>>, vector<1x1x16xf32>,
        %get3A_158 = vector.shape_cast %get3A_157 : vector<1x1x16xf32> to vector<16xf32>
        %add3A_159 = arith.addf %add3A_129, %get3A_158 : vector<16xf32>
        %get3A_160 = arith.constant 0 : i32
        %get3A_161 = arith.index_cast %get3A_160 : i32 to index
        %get3A_162 = arith.index_cast %scan3A_138 : i32 to index
        %get3A_163 = arith.constant 48 : index
        %get3A_164 = tpu.vector_load %arg6[%get3A_161, %get3A_162, %get3A_163] {strides = array<i32>} : memref<2x100x64xf32, #tpu.memory_space<vmem>>, vector<1x1x16xf32>,
        %get3A_165 = vector.shape_cast %get3A_164 : vector<1x1x16xf32> to vector<16xf32>
        %add3A_166 = arith.addf %add3A_136, %get3A_165 : vector<16xf32>
        scf.yield %add3A_145, %add3A_152, %add3A_159, %add3A_166 : vector<16xf32>, vector<16xf32>, vector<16xf32>, vector<16xf32>
      }
      %scan3A_53 = arith.constant 100 : i32
      %add3A_54 = arith.constant 2 : i32
      %add3A_55 = arith.addi %mul3A_37, %add3A_54 : i32
      %lt3A = arith.constant 256 : i32
      %lt3A_56 = arith.cmpi slt, %add3A_55, %lt3A : i32
      %convert_element_type3A = arith.extui %lt3A_56 : i1 to i32
      %cond3A = arith.constant 0 : i32
      %cond3A_57 = arith.cmpi ne, %convert_element_type3A, %cond3A : i32
      scf.if %cond3A_57 {
        %add3A_105 = arith.constant 2 : i32
        %add3A_106 = arith.addi %mul3A_37, %add3A_105 : i32
        %dma_start3A_107 = arith.constant 0 : i32
        %dma_start3A_108 = arith.constant 0 : i32
        %dma_start3A_109 = arith.constant 0 : i32
        %dma_start3A_110 = tpu.memref_slice %arg6[%dma_start3A_107, %dma_start3A_108, %dma_start3A_109] : memref<2x100x64xf32, #tpu.memory_space<vmem>> -> memref<1x100x64xf32, #tpu.memory_space<vmem>>
        %dma_start3A_111 = tpu.memref_squeeze %dma_start3A_110 : memref<1x100x64xf32, #tpu.memory_space<vmem>> -> memref<100x64xf32, #tpu.memory_space<vmem>>
        %dma_start3A_112 = arith.constant 0 : i32
        %dma_start3A_113 = tpu.memref_slice %arg5[%add3A_106, %dma_start3A_112] : memref<256x100xi32, #tpu.memory_space<vmem>> -> memref<1x100xi32, #tpu.memory_space<vmem>>
        %dma_start3A_114 = tpu.memref_squeeze %dma_start3A_113 : memref<1x100xi32, #tpu.memory_space<vmem>> -> memref<100xi32, #tpu.memory_space<vmem>>
        %dma_start3A_115 = arith.constant 0 : i32
        %dma_start3A_116 = arith.constant 0 : i32
        %dma_start3A_117 = tpu.memref_slice %arg3[%dma_start3A_115, %dma_start3A_116] : memref<1016064x64xf32, #tpu.memory_space<hbm>> -> memref<1016064x64xf32, #tpu.memory_space<hbm>>
        tpu.enqueue_indirect_dma source(%dma_start3A_117 : memref<1016064x64xf32, #tpu.memory_space<hbm>>) target(%dma_start3A_111 : memref<100x64xf32, #tpu.memory_space<vmem>>) offsets(%dma_start3A_114 : memref<100xi32, #tpu.memory_space<vmem>>) semaphore(%arg8 : memref<!tpu.dma_semaphore, #tpu.memory_space<semaphore_mem>>)
      } else {
      }
      %mul3A_58 = arith.constant 2 : i32
      %mul3A_59 = arith.muli %add3A_34, %mul3A_58 : i32
      %add3A_60 = arith.constant 1 : i32
      %add3A_61 = arith.addi %mul3A_59, %add3A_60 : i32
      %dma_wait3A_62 = arith.constant 1 : i32
      %dma_wait3A_63 = arith.constant 0 : i32
      %dma_wait3A_64 = arith.constant 0 : i32
      %dma_wait3A_65 = tpu.memref_slice %arg6[%dma_wait3A_62, %dma_wait3A_63, %dma_wait3A_64] : memref<2x100x64xf32, #tpu.memory_space<vmem>> -> memref<1x100x64xf32, #tpu.memory_space<vmem>>
      %dma_wait3A_66 = tpu.memref_squeeze %dma_wait3A_65 : memref<1x100x64xf32, #tpu.memory_space<vmem>> -> memref<100x64xf32, #tpu.memory_space<vmem>>
      %dma_wait3A_67 = arith.constant 0 : i32
      %dma_wait3A_68 = tpu.memref_slice %arg5[%add3A_61, %dma_wait3A_67] : memref<256x100xi32, #tpu.memory_space<vmem>> -> memref<1x100xi32, #tpu.memory_space<vmem>>
      %dma_wait3A_69 = tpu.memref_squeeze %dma_wait3A_68 : memref<1x100xi32, #tpu.memory_space<vmem>> -> memref<100xi32, #tpu.memory_space<vmem>>
      %dma_wait3A_70 = arith.constant 0 : i32
      %dma_wait3A_71 = arith.constant 0 : i32
      %dma_wait3A_72 = tpu.memref_slice %arg3[%dma_wait3A_70, %dma_wait3A_71] : memref<1016064x64xf32, #tpu.memory_space<hbm>> -> memref<1016064x64xf32, #tpu.memory_space<hbm>>
      tpu.wait_indirect_dma semaphore(%arg9 : memref<!tpu.dma_semaphore, #tpu.memory_space<semaphore_mem>>) src(%dma_wait3A_72 : memref<1016064x64xf32, #tpu.memory_space<hbm>>) dst(%dma_wait3A_66 : memref<100x64xf32, #tpu.memory_space<vmem>>)
      %scan3A_73 = arith.constant 0 : i32
      %scan3A_74 = arith.constant 100 : i32
      %scan3A_75 = arith.addi %scan3A_73, %scan3A_74 : i32
      %scan3A_76 = arith.constant 2 : i32
      %scan3A_77:4 = scf.for %scan3A_105 = %scan3A_73 to %scan3A_75 step %scan3A_76 iter_args(%scan3A_106 = %scan3A_52#0, %scan3A_107 = %scan3A_52#1, %scan3A_108 = %scan3A_52#2, %scan3A_109 = %scan3A_52#3) -> (vector<16xf32>, vector<16xf32>, vector<16xf32>, vector<16xf32>)  : i32 {
        %get3A = arith.constant 1 : i32
        %get3A_110 = arith.index_cast %get3A : i32 to index
        %get3A_111 = arith.index_cast %scan3A_105 : i32 to index
        %get3A_112 = arith.constant 0 : index
        %get3A_113 = tpu.vector_load %arg6[%get3A_110, %get3A_111, %get3A_112] {strides = array<i32>} : memref<2x100x64xf32, #tpu.memory_space<vmem>>, vector<1x1x16xf32>,
        %get3A_114 = vector.shape_cast %get3A_113 : vector<1x1x16xf32> to vector<16xf32>
        %add3A_115 = arith.addf %scan3A_106, %get3A_114 : vector<16xf32>
        %get3A_116 = arith.constant 1 : i32
        %get3A_117 = arith.index_cast %get3A_116 : i32 to index
        %get3A_118 = arith.index_cast %scan3A_105 : i32 to index
        %get3A_119 = arith.constant 16 : index
        %get3A_120 = tpu.vector_load %arg6[%get3A_117, %get3A_118, %get3A_119] {strides = array<i32>} : memref<2x100x64xf32, #tpu.memory_space<vmem>>, vector<1x1x16xf32>,
        %get3A_121 = vector.shape_cast %get3A_120 : vector<1x1x16xf32> to vector<16xf32>
        %add3A_122 = arith.addf %scan3A_107, %get3A_121 : vector<16xf32>
        %get3A_123 = arith.constant 1 : i32
        %get3A_124 = arith.index_cast %get3A_123 : i32 to index
        %get3A_125 = arith.index_cast %scan3A_105 : i32 to index
        %get3A_126 = arith.constant 32 : index
        %get3A_127 = tpu.vector_load %arg6[%get3A_124, %get3A_125, %get3A_126] {strides = array<i32>} : memref<2x100x64xf32, #tpu.memory_space<vmem>>, vector<1x1x16xf32>,
        %get3A_128 = vector.shape_cast %get3A_127 : vector<1x1x16xf32> to vector<16xf32>
        %add3A_129 = arith.addf %scan3A_108, %get3A_128 : vector<16xf32>
        %get3A_130 = arith.constant 1 : i32
        %get3A_131 = arith.index_cast %get3A_130 : i32 to index
        %get3A_132 = arith.index_cast %scan3A_105 : i32 to index
        %get3A_133 = arith.constant 48 : index
        %get3A_134 = tpu.vector_load %arg6[%get3A_131, %get3A_132, %get3A_133] {strides = array<i32>} : memref<2x100x64xf32, #tpu.memory_space<vmem>>, vector<1x1x16xf32>,
        %get3A_135 = vector.shape_cast %get3A_134 : vector<1x1x16xf32> to vector<16xf32>
        %add3A_136 = arith.addf %scan3A_109, %get3A_135 : vector<16xf32>
        %scan3A_137 = arith.constant 1 : i32
        %scan3A_138 = arith.addi %scan3A_105, %scan3A_137 : i32
        %get3A_139 = arith.constant 1 : i32
        %get3A_140 = arith.index_cast %get3A_139 : i32 to index
        %get3A_141 = arith.index_cast %scan3A_138 : i32 to index
        %get3A_142 = arith.constant 0 : index
        %get3A_143 = tpu.vector_load %arg6[%get3A_140, %get3A_141, %get3A_142] {strides = array<i32>} : memref<2x100x64xf32, #tpu.memory_space<vmem>>, vector<1x1x16xf32>,
        %get3A_144 = vector.shape_cast %get3A_143 : vector<1x1x16xf32> to vector<16xf32>
        %add3A_145 = arith.addf %add3A_115, %get3A_144 : vector<16xf32>
        %get3A_146 = arith.constant 1 : i32
        %get3A_147 = arith.index_cast %get3A_146 : i32 to index
        %get3A_148 = arith.index_cast %scan3A_138 : i32 to index
        %get3A_149 = arith.constant 16 : index
        %get3A_150 = tpu.vector_load %arg6[%get3A_147, %get3A_148, %get3A_149] {strides = array<i32>} : memref<2x100x64xf32, #tpu.memory_space<vmem>>, vector<1x1x16xf32>,
        %get3A_151 = vector.shape_cast %get3A_150 : vector<1x1x16xf32> to vector<16xf32>
        %add3A_152 = arith.addf %add3A_122, %get3A_151 : vector<16xf32>
        %get3A_153 = arith.constant 1 : i32
        %get3A_154 = arith.index_cast %get3A_153 : i32 to index
        %get3A_155 = arith.index_cast %scan3A_138 : i32 to index
        %get3A_156 = arith.constant 32 : index
        %get3A_157 = tpu.vector_load %arg6[%get3A_154, %get3A_155, %get3A_156] {strides = array<i32>} : memref<2x100x64xf32, #tpu.memory_space<vmem>>, vector<1x1x16xf32>,
        %get3A_158 = vector.shape_cast %get3A_157 : vector<1x1x16xf32> to vector<16xf32>
        %add3A_159 = arith.addf %add3A_129, %get3A_158 : vector<16xf32>
        %get3A_160 = arith.constant 1 : i32
        %get3A_161 = arith.index_cast %get3A_160 : i32 to index
        %get3A_162 = arith.index_cast %scan3A_138 : i32 to index
        %get3A_163 = arith.constant 48 : index
        %get3A_164 = tpu.vector_load %arg6[%get3A_161, %get3A_162, %get3A_163] {strides = array<i32>} : memref<2x100x64xf32, #tpu.memory_space<vmem>>, vector<1x1x16xf32>,
        %get3A_165 = vector.shape_cast %get3A_164 : vector<1x1x16xf32> to vector<16xf32>
        %add3A_166 = arith.addf %add3A_136, %get3A_165 : vector<16xf32>
        scf.yield %add3A_145, %add3A_152, %add3A_159, %add3A_166 : vector<16xf32>, vector<16xf32>, vector<16xf32>, vector<16xf32>
      }
      %scan3A_78 = arith.constant 100 : i32
      %add3A_79 = arith.constant 2 : i32
      %add3A_80 = arith.addi %add3A_61, %add3A_79 : i32
      %lt3A_81 = arith.constant 256 : i32
      %lt3A_82 = arith.cmpi slt, %add3A_80, %lt3A_81 : i32
      %convert_element_type3A_83 = arith.extui %lt3A_82 : i1 to i32
      %cond3A_84 = arith.constant 0 : i32
      %cond3A_85 = arith.cmpi ne, %convert_element_type3A_83, %cond3A_84 : i32
      scf.if %cond3A_85 {
        %add3A_105 = arith.constant 2 : i32
        %add3A_106 = arith.addi %add3A_61, %add3A_105 : i32
        %dma_start3A_107 = arith.constant 1 : i32
        %dma_start3A_108 = arith.constant 0 : i32
        %dma_start3A_109 = arith.constant 0 : i32
        %dma_start3A_110 = tpu.memref_slice %arg6[%dma_start3A_107, %dma_start3A_108, %dma_start3A_109] : memref<2x100x64xf32, #tpu.memory_space<vmem>> -> memref<1x100x64xf32, #tpu.memory_space<vmem>>
        %dma_start3A_111 = tpu.memref_squeeze %dma_start3A_110 : memref<1x100x64xf32, #tpu.memory_space<vmem>> -> memref<100x64xf32, #tpu.memory_space<vmem>>
        %dma_start3A_112 = arith.constant 0 : i32
        %dma_start3A_113 = tpu.memref_slice %arg5[%add3A_106, %dma_start3A_112] : memref<256x100xi32, #tpu.memory_space<vmem>> -> memref<1x100xi32, #tpu.memory_space<vmem>>
        %dma_start3A_114 = tpu.memref_squeeze %dma_start3A_113 : memref<1x100xi32, #tpu.memory_space<vmem>> -> memref<100xi32, #tpu.memory_space<vmem>>
        %dma_start3A_115 = arith.constant 0 : i32
        %dma_start3A_116 = arith.constant 0 : i32
        %dma_start3A_117 = tpu.memref_slice %arg3[%dma_start3A_115, %dma_start3A_116] : memref<1016064x64xf32, #tpu.memory_space<hbm>> -> memref<1016064x64xf32, #tpu.memory_space<hbm>>
        tpu.enqueue_indirect_dma source(%dma_start3A_117 : memref<1016064x64xf32, #tpu.memory_space<hbm>>) target(%dma_start3A_111 : memref<100x64xf32, #tpu.memory_space<vmem>>) offsets(%dma_start3A_114 : memref<100xi32, #tpu.memory_space<vmem>>) semaphore(%arg9 : memref<!tpu.dma_semaphore, #tpu.memory_space<semaphore_mem>>)
      } else {
      }
      %swap3A = arith.index_cast %add3A_34 : i32 to index
      %swap3A_86 = arith.constant 0 : index
      %swap3A_87 = tpu.vector_load %arg7[%swap3A, %swap3A_86] {strides = array<i32>} : memref<128x64xf32, #tpu.memory_space<vmem>>, vector<1x16xf32>,
      %swap3A_88 = vector.shape_cast %swap3A_87 : vector<1x16xf32> to vector<16xf32>
      %swap3A_89 = vector.shape_cast %scan3A_77#0 : vector<16xf32> to vector<1x16xf32>
      tpu.vector_store %arg7[%swap3A, %swap3A_86], %swap3A_89 {strides = array<i32>} : memref<128x64xf32, #tpu.memory_space<vmem>>, vector<1x16xf32>,
      %swap3A_90 = arith.index_cast %add3A_34 : i32 to index
      %swap3A_91 = arith.constant 16 : index
      %swap3A_92 = tpu.vector_load %arg7[%swap3A_90, %swap3A_91] {strides = array<i32>} : memref<128x64xf32, #tpu.memory_space<vmem>>, vector<1x16xf32>,
      %swap3A_93 = vector.shape_cast %swap3A_92 : vector<1x16xf32> to vector<16xf32>
      %swap3A_94 = vector.shape_cast %scan3A_77#1 : vector<16xf32> to vector<1x16xf32>
      tpu.vector_store %arg7[%swap3A_90, %swap3A_91], %swap3A_94 {strides = array<i32>} : memref<128x64xf32, #tpu.memory_space<vmem>>, vector<1x16xf32>,
      %swap3A_95 = arith.index_cast %add3A_34 : i32 to index
      %swap3A_96 = arith.constant 32 : index
      %swap3A_97 = tpu.vector_load %arg7[%swap3A_95, %swap3A_96] {strides = array<i32>} : memref<128x64xf32, #tpu.memory_space<vmem>>, vector<1x16xf32>,
      %swap3A_98 = vector.shape_cast %swap3A_97 : vector<1x16xf32> to vector<16xf32>
      %swap3A_99 = vector.shape_cast %scan3A_77#2 : vector<16xf32> to vector<1x16xf32>
      tpu.vector_store %arg7[%swap3A_95, %swap3A_96], %swap3A_99 {strides = array<i32>} : memref<128x64xf32, #tpu.memory_space<vmem>>, vector<1x16xf32>,
      %swap3A_100 = arith.index_cast %add3A_34 : i32 to index
      %swap3A_101 = arith.constant 48 : index
      %swap3A_102 = tpu.vector_load %arg7[%swap3A_100, %swap3A_101] {strides = array<i32>} : memref<128x64xf32, #tpu.memory_space<vmem>>, vector<1x16xf32>,
      %swap3A_103 = vector.shape_cast %swap3A_102 : vector<1x16xf32> to vector<16xf32>
      %swap3A_104 = vector.shape_cast %scan3A_77#3 : vector<16xf32> to vector<1x16xf32>
      tpu.vector_store %arg7[%swap3A_100, %swap3A_101], %swap3A_104 {strides = array<i32>} : memref<128x64xf32, #tpu.memory_space<vmem>>, vector<1x16xf32>,
    }
    %scan3A_27 = arith.constant 128 : i32
    %mul3A_28 = arith.constant 128 : i32
    %mul3A_29 = arith.muli %add3A, %mul3A_28 : i32
    "tpu.region"() ({
      %run_scoped3A = tpu.sem_alloc : memref<!tpu.dma_semaphore, #tpu.memory_space<semaphore_mem>>
      %dma_start3A_30 = arith.constant 0 : i32
      %dma_start3A_31 = tpu.memref_slice %arg4[%mul3A_29, %dma_start3A_30] : memref<4096x64xf32, #tpu.memory_space<hbm>> -> memref<128x64xf32, #tpu.memory_space<hbm>>
      %dma_start3A_32 = arith.constant 0 : i32
      %dma_start3A_33 = tpu.memref_slice %arg4[%mul3A_29, %dma_start3A_32] : memref<4096x64xf32, #tpu.memory_space<hbm>> -> memref<128x64xf32, #tpu.memory_space<hbm>>
      tpu.enqueue_dma source(%arg7 : memref<128x64xf32, #tpu.memory_space<vmem>>) target(%dma_start3A_33 : memref<128x64xf32, #tpu.memory_space<hbm>>) target_semaphore(%run_scoped3A : memref<!tpu.dma_semaphore, #tpu.memory_space<semaphore_mem>>)
      %dma_wait3A = arith.constant 0 : i32
      %dma_wait3A_34 = tpu.memref_slice %arg4[%mul3A_29, %dma_wait3A] : memref<4096x64xf32, #tpu.memory_space<hbm>> -> memref<128x64xf32, #tpu.memory_space<hbm>>
      %dma_wait3A_35 = arith.constant 0 : i32
      %dma_wait3A_36 = tpu.memref_slice %arg4[%mul3A_29, %dma_wait3A_35] : memref<4096x64xf32, #tpu.memory_space<hbm>> -> memref<128x64xf32, #tpu.memory_space<hbm>>
      tpu.wait_dma2 semaphore(%run_scoped3A : memref<!tpu.dma_semaphore, #tpu.memory_space<semaphore_mem>>) src(%arg7 : memref<128x64xf32, #tpu.memory_space<vmem>>) dst(%dma_wait3A_36 : memref<128x64xf32, #tpu.memory_space<hbm>>)
      tpu.yield
    }) : () -> ()
    return
  }
}

module attributes {stable_mosaic.version = 14 : i64} {
  func.func @_prep_body(%arg0: i32, %arg1: memref<64x8064xf32, #tpu.memory_space<vmem>>, %arg2: memref<64x8064xf32, #tpu.memory_space<vmem>>, %arg3: memref<8064x128xf32, #tpu.memory_space<vmem>>) attributes {dimension_semantics = [#tpu.dimension_semantics<arbitrary>], iteration_bounds = array<i64: 63>, scalar_prefetch = 0 : i64, scratch_operands = 0 : i64, tpu.core_type = #tpu.core_type<tc>, window_params = [{transform_indices = @transform_0, window_bounds = array<i64: 64, 8064>}, {transform_indices = @transform_1, window_bounds = array<i64: 64, 8064>}, {transform_indices = @transform_2, window_bounds = array<i64: 8064, 128>}]} {
    %iota3A = tpu.iota {dimensions = array<i32: 0>} : vector<64x64xi32>
    %iota3A_0 = tpu.iota {dimensions = array<i32: 1>} : vector<64x64xi32>
    %eq3A = arith.cmpi eq, %iota3A, %iota3A_0 : vector<64x64xi32>
    %jit3A = arith.constant 5.000000e-03 : f32
    %jit3A_1 = arith.constant 0.000000e+00 : f32
    %broadcast_in_dim3A = vector.broadcast %jit3A : f32 to vector<64x64xf32>
    %broadcast_in_dim3A_2 = vector.broadcast %jit3A_1 : f32 to vector<64x64xf32>
    %select_n3A = arith.select %eq3A, %broadcast_in_dim3A, %broadcast_in_dim3A_2 : vector<64x64xi1>, vector<64x64xf32>
    %get3A = arith.constant 0 : index
    %get3A_3 = arith.constant 0 : index
    %get3A_4 = vector.load %arg1[%get3A, %get3A_3] : memref<64x8064xf32, #tpu.memory_space<vmem>>, vector<64x8064xf32>
    %dot_general3A = arith.constant dense<0.000000e+00> : vector<8064x64xf32>
    %dot_general3A_5 = tpu.matmul %get3A_4, %select_n3A, %dot_general3A {dimension_numbers = #tpu.dot_dimension_numbers<[0], [0], [1], [1], [0, 1, 1, 1], [], []>, transpose_lhs_hint = false} : vector<64x8064xf32>, vector<64x64xf32>, vector<8064x64xf32> -> vector<8064x64xf32>
    %get3A_6 = arith.constant 0 : index
    %get3A_7 = arith.constant 0 : index
    %get3A_8 = vector.load %arg2[%get3A_6, %get3A_7] : memref<64x8064xf32, #tpu.memory_space<vmem>>, vector<64x8064xf32>
    %dot_general3A_9 = arith.constant dense<0.000000e+00> : vector<8064x64xf32>
    %dot_general3A_10 = tpu.matmul %get3A_8, %select_n3A, %dot_general3A_9 {dimension_numbers = #tpu.dot_dimension_numbers<[0], [0], [1], [1], [0, 1, 1, 1], [], []>, transpose_lhs_hint = false} : vector<64x8064xf32>, vector<64x64xf32>, vector<8064x64xf32> -> vector<8064x64xf32>
    %concatenate3A = tpu.concatenate %dot_general3A_5, %dot_general3A_10 in 1 : vector<8064x64xf32>, vector<8064x64xf32> -> vector<8064x128xf32>
    %swap3A = arith.constant 0 : index
    %swap3A_11 = arith.constant 0 : index
    %swap3A_12 = vector.load %arg3[%swap3A, %swap3A_11] : memref<8064x128xf32, #tpu.memory_space<vmem>>, vector<8064x128xf32>
    tpu.vector_store %arg3[%swap3A, %swap3A_11], %concatenate3A {strides = array<i32>} : memref<8064x128xf32, #tpu.memory_space<vmem>>, vector<8064x128xf32>,
    return
  }
  func.func @transform_0(%arg0: i32) -> (i32, i32) {
    %lt3A = arith.constant 62 : i32
    %lt3A_0 = arith.cmpi slt, %arg0, %lt3A : i32
    %jit3A = arith.constant 124 : i32
    %select_n3A = arith.select %lt3A_0, %arg0, %jit3A : i32
    %c0_i32 = arith.constant 0 : i32
    %c0_i32_1 = arith.constant 0 : i32
    return %c0_i32, %select_n3A : i32, i32
  }
  func.func @transform_1(%arg0: i32) -> (i32, i32) {
    %lt3A = arith.constant 62 : i32
    %lt3A_0 = arith.cmpi slt, %arg0, %lt3A : i32
    %add3A = arith.constant 62 : i32
    %add3A_1 = arith.addi %arg0, %add3A : i32
    %jit3A = arith.constant 124 : i32
    %select_n3A = arith.select %lt3A_0, %add3A_1, %jit3A : i32
    %c0_i32 = arith.constant 0 : i32
    %c0_i32_2 = arith.constant 0 : i32
    return %c0_i32, %select_n3A : i32, i32
  }
  func.func @transform_2(%arg0: i32) -> (i32, i32) {
    %c0_i32 = arith.constant 0 : i32
    %c0_i32_0 = arith.constant 0 : i32
    return %arg0, %c0_i32 : i32, i32
  }
}

module attributes {stable_mosaic.version = 14 : i64} {
  func.func @_mlp_body(%arg0: i32, %arg1: memref<512x64xf32, #tpu.memory_space<vmem>>, %arg2: memref<64x128xf32, #tpu.memory_space<vmem>>, %arg3: memref<1x128xf32, #tpu.memory_space<vmem>>, %arg4: memref<128x64xf32, #tpu.memory_space<vmem>>, %arg5: memref<1x64xf32, #tpu.memory_space<vmem>>, %arg6: memref<64x50xf32, #tpu.memory_space<vmem>>, %arg7: memref<1x50xf32, #tpu.memory_space<vmem>>, %arg8: memref<512x50xf32, #tpu.memory_space<vmem>>) attributes {dimension_semantics = [#tpu.dimension_semantics<arbitrary>], iteration_bounds = array<i64: 8>, scalar_prefetch = 0 : i64, scratch_operands = 0 : i64, tpu.core_type = #tpu.core_type<tc>, window_params = [{transform_indices = @transform_0, window_bounds = array<i64: 512, 64>}, {pipeline_mode = #tpu.pipeline_mode<synchronous>, transform_indices = @transform_1, window_bounds = array<i64: 64, 128>}, {pipeline_mode = #tpu.pipeline_mode<synchronous>, transform_indices = @transform_2, window_bounds = array<i64: 1, 128>}, {pipeline_mode = #tpu.pipeline_mode<synchronous>, transform_indices = @transform_3, window_bounds = array<i64: 128, 64>}, {pipeline_mode = #tpu.pipeline_mode<synchronous>, transform_indices = @transform_4, window_bounds = array<i64: 1, 64>}, {pipeline_mode = #tpu.pipeline_mode<synchronous>, transform_indices = @transform_5, window_bounds = array<i64: 64, 50>}, {pipeline_mode = #tpu.pipeline_mode<synchronous>, transform_indices = @transform_6, window_bounds = array<i64: 1, 50>}, {transform_indices = @transform_7, window_bounds = array<i64: 512, 50>}]} {
    %get3A = arith.constant 0 : index
    %get3A_0 = arith.constant 0 : index
    %get3A_1 = vector.load %arg1[%get3A, %get3A_0] : memref<512x64xf32, #tpu.memory_space<vmem>>, vector<512x64xf32>
    %get3A_2 = arith.constant 0 : index
    %get3A_3 = arith.constant 0 : index
    %get3A_4 = vector.load %arg2[%get3A_2, %get3A_3] : memref<64x128xf32, #tpu.memory_space<vmem>>, vector<64x128xf32>
    %dot_general3A = arith.constant dense<0.000000e+00> : vector<512x128xf32>
    %dot_general3A_5 = tpu.matmul %get3A_1, %get3A_4, %dot_general3A {dimension_numbers = #tpu.dot_dimension_numbers<[1], [0], [0], [1], [0, 0, 1, 1], [], []>, transpose_lhs_hint = false} : vector<512x64xf32>, vector<64x128xf32>, vector<512x128xf32> -> vector<512x128xf32>
    %get3A_6 = arith.constant 0 : index
    %get3A_7 = arith.constant 0 : index
    %get3A_8 = vector.load %arg3[%get3A_6, %get3A_7] : memref<1x128xf32, #tpu.memory_space<vmem>>, vector<1x128xf32>
    %add3A = vector.broadcast %get3A_8 : vector<1x128xf32> to vector<512x128xf32>
    %add3A_9 = arith.addf %dot_general3A_5, %add3A : vector<512x128xf32>
    %max3A = arith.constant 0.000000e+00 : f32
    %max3A_10 = vector.broadcast %max3A : f32 to vector<512x128xf32>
    %max3A_11 = arith.maximumf %add3A_9, %max3A_10 : vector<512x128xf32>
    %get3A_12 = arith.constant 0 : index
    %get3A_13 = arith.constant 0 : index
    %get3A_14 = vector.load %arg4[%get3A_12, %get3A_13] : memref<128x64xf32, #tpu.memory_space<vmem>>, vector<128x64xf32>
    %dot_general3A_15 = arith.constant dense<0.000000e+00> : vector<512x64xf32>
    %dot_general3A_16 = tpu.matmul %max3A_11, %get3A_14, %dot_general3A_15 {dimension_numbers = #tpu.dot_dimension_numbers<[1], [0], [0], [1], [0, 0, 1, 1], [], []>, transpose_lhs_hint = false} : vector<512x128xf32>, vector<128x64xf32>, vector<512x64xf32> -> vector<512x64xf32>
    %get3A_17 = arith.constant 0 : index
    %get3A_18 = arith.constant 0 : index
    %get3A_19 = vector.load %arg5[%get3A_17, %get3A_18] : memref<1x64xf32, #tpu.memory_space<vmem>>, vector<1x64xf32>
    %add3A_20 = vector.broadcast %get3A_19 : vector<1x64xf32> to vector<512x64xf32>
    %add3A_21 = arith.addf %dot_general3A_16, %add3A_20 : vector<512x64xf32>
    %max3A_22 = arith.constant 0.000000e+00 : f32
    %max3A_23 = vector.broadcast %max3A_22 : f32 to vector<512x64xf32>
    %max3A_24 = arith.maximumf %add3A_21, %max3A_23 : vector<512x64xf32>
    %get3A_25 = arith.constant 0 : index
    %get3A_26 = arith.constant 0 : index
    %get3A_27 = vector.load %arg6[%get3A_25, %get3A_26] : memref<64x50xf32, #tpu.memory_space<vmem>>, vector<64x50xf32>
    %dot_general3A_28 = arith.constant dense<0.000000e+00> : vector<512x50xf32>
    %dot_general3A_29 = tpu.matmul %max3A_24, %get3A_27, %dot_general3A_28 {dimension_numbers = #tpu.dot_dimension_numbers<[1], [0], [0], [1], [0, 0, 1, 1], [], []>, transpose_lhs_hint = false} : vector<512x64xf32>, vector<64x50xf32>, vector<512x50xf32> -> vector<512x50xf32>
    %get3A_30 = arith.constant 0 : index
    %get3A_31 = arith.constant 0 : index
    %get3A_32 = vector.load %arg7[%get3A_30, %get3A_31] : memref<1x50xf32, #tpu.memory_space<vmem>>, vector<1x50xf32>
    %add3A_33 = vector.broadcast %get3A_32 : vector<1x50xf32> to vector<512x50xf32>
    %add3A_34 = arith.addf %dot_general3A_29, %add3A_33 : vector<512x50xf32>
    %logistic3A = arith.negf %add3A_34 : vector<512x50xf32>
    %logistic3A_35 = math.exp %logistic3A : vector<512x50xf32>
    %logistic3A_36 = arith.constant 1.000000e+00 : f32
    %logistic3A_37 = vector.broadcast %logistic3A_36 : f32 to vector<512x50xf32>
    %logistic3A_38 = arith.addf %logistic3A_37, %logistic3A_35 : vector<512x50xf32>
    %logistic3A_39 = arith.divf %logistic3A_37, %logistic3A_38 : vector<512x50xf32>
    %swap3A = arith.constant 0 : index
    %swap3A_40 = arith.constant 0 : index
    %swap3A_41 = vector.load %arg8[%swap3A, %swap3A_40] : memref<512x50xf32, #tpu.memory_space<vmem>>, vector<512x50xf32>
    tpu.vector_store %arg8[%swap3A, %swap3A_40], %logistic3A_39 {strides = array<i32>} : memref<512x50xf32, #tpu.memory_space<vmem>>, vector<512x50xf32>,
    return
  }
  func.func @transform_0(%arg0: i32) -> (i32, i32) {
    %c0_i32 = arith.constant 0 : i32
    %c0_i32_0 = arith.constant 0 : i32
    return %arg0, %c0_i32 : i32, i32
  }
  func.func @transform_1(%arg0: i32) -> (i32, i32) {
    %c0_i32 = arith.constant 0 : i32
    %c0_i32_0 = arith.constant 0 : i32
    %c0_i32_1 = arith.constant 0 : i32
    return %c0_i32, %c0_i32_0 : i32, i32
  }
  func.func @transform_2(%arg0: i32) -> (i32, i32) {
    %c0_i32 = arith.constant 0 : i32
    %c0_i32_0 = arith.constant 0 : i32
    %c0_i32_1 = arith.constant 0 : i32
    return %c0_i32, %c0_i32_0 : i32, i32
  }
  func.func @transform_3(%arg0: i32) -> (i32, i32) {
    %c0_i32 = arith.constant 0 : i32
    %c0_i32_0 = arith.constant 0 : i32
    %c0_i32_1 = arith.constant 0 : i32
    return %c0_i32, %c0_i32_0 : i32, i32
  }
  func.func @transform_4(%arg0: i32) -> (i32, i32) {
    %c0_i32 = arith.constant 0 : i32
    %c0_i32_0 = arith.constant 0 : i32
    %c0_i32_1 = arith.constant 0 : i32
    return %c0_i32, %c0_i32_0 : i32, i32
  }
  func.func @transform_5(%arg0: i32) -> (i32, i32) {
    %c0_i32 = arith.constant 0 : i32
    %c0_i32_0 = arith.constant 0 : i32
    %c0_i32_1 = arith.constant 0 : i32
    return %c0_i32, %c0_i32_0 : i32, i32
  }
  func.func @transform_6(%arg0: i32) -> (i32, i32) {
    %c0_i32 = arith.constant 0 : i32
    %c0_i32_0 = arith.constant 0 : i32
    %c0_i32_1 = arith.constant 0 : i32
    return %c0_i32, %c0_i32_0 : i32, i32
  }
  func.func @transform_7(%arg0: i32) -> (i32, i32) {
    %c0_i32 = arith.constant 0 : i32
    %c0_i32_0 = arith.constant 0 : i32
    return %arg0, %c0_i32 : i32, i32
  }
}

</mosaic_0001>

<sc_bundles>
// kernel: kernel.5.cloned.1.call-start
scs
__scs_entry_jumppad:
0x0: {  	(pc) =	sbr.rel $0x88, $3  }
0x1: {  	(tag) =	ssettag $0x0;
	lr =	simm.s32 $0x1  }
0x2: {  	[smem:$0x3F99] =	sst lr;
	_ =	strace $0xD0000000  }
0x3: {  	_ = 	snop  }
0x4: {  	_ = 	snop  }
0x5: {  	_ = 	snop  }
0x6: {  	_ = 	snop  }
0x7: {  	_ = 	snop  }
__scs_overlays_trampoline_lowered:
0x8: {  	[smem:$0x3FA8] =	sst s0  }
0x9: {  	[smem:$0x3FA9] =	sst s1  }
0xa: {  	[smem:$0x3FAA] =	sst s2  }
0xb: {  	[smem:$0x3FAB] =	sst s3  }
0xc: {  	[smem:$0x3FAC] =	sst s4  }
0xd: {  	[smem:$0x3FAD] =	sst s5  }
0xe: {  	[smem:$0x3FAE] =	sst s6  }
0xf: {  	[smem:$0x3FAF] =	sst s7  }
0x10: {  	[smem:$0x3FB0] =	sst s8  }
0x11: {  	[smem:$0x3FB1] =	sst s9;
	s0 =	simm.s32 @!p0 $0x0  }
0x12: {  	s1 =	sld [smem:$0x3F97];
	s0 =	simm.s32 @p0 $0x1  }
0x13: {  	[smem:$0x3FB2] =	sst s0;
	s0 =	simm.s32 @!p1 $0x0  }
0x14: {  	s2 =	sld [smem:$0x3F96];
	s0 =	simm.s32 @p1 $0x1  }
0x15: {  	[smem:$0x3FB3] =	sst s0;
	s0 =	simm.s32 @!p2 $0x0  }
0x16: {  	s3 =	sld [smem:$0x3FDB];
	s0 =	simm.s32 @p2 $0x1  }
0x17: {  	s4 =	simm.s32 $0x1BF5;
	[smem:$0x3FB5] =	sst s0  }
0x18: {  	s0 =	sld [smem:$0x3F98];
	_ =	swait.ge [sflag:s4], $0x0  }
0x19: {  	s7 =	sld [smem:$0x3F99]  }
0x1a: {  	s8 =	sadd.s32 $0xFFFFE003, lr  }
0x1b: {  	s9 =	sadd.s32 $0xFFFFFEF7, lr;
	s5 =	simm.s32 $0xFFFFFFFF;
	p2 =	slt.u32 s8, $0xFFFFF086  }
0x1c: {  	p1 =	slt.u32 s9, $0xF7A;
	s5 =	simm.s32 @!p2 $0x0  }
0x1d: {  	s5 =	simm.s32 @p1 $0x1;
	p0 =	seq.s32 s7, s2  }
0x1e: {  	s7 =	smul.u32 @!p0 $0xF7A, s2;
	p2 =	seq.s32 @!p0 s5, $0x0  }
0x1f: {  	s9 =	smul.u32 $0xF7A, s1;
	s8 =	simm.s32 @!p0 $0x1BF5;
	p2 =	por !p2, p0  }
0x20: {  	[sflag:s8] =	ssyncset.s32 @!p0 $0xFFFFF086;
	s6 =	sadd.s32 @!p0 s3, s7;
	s7 =	simm.s32 @!p0 $0x108  }
0x21: {  	s3 =	sadd.s32 s3, s9;
	s6 =	sadd.s32 @!p0 $0x88, s6;
	s7 =	simm.s32 @p2 $0x1082  }
0x22: {  	[simem:s7], [sflag:s8] =	dma.local @!p0 [hbm:s6], $0xF7A  }
0x23: {  	s9 =	sor.u32 $0xD0000000, s2;
	s6 =	simm.s32 $0x108;
	_ =	swait.ge @!p0 [sflag:s8], $0x0  }
0x24: {  	s3 =	sadd.s32 $0x88, s3;
	s6 =	simm.s32 @!p1 $0x1082;
	[sflag:s4] =	ssyncset.s32 $0xFFFFF086  }
0x25: {  	[simem:s6], [sflag:s4] =	dma.local [hbm:s3], $0xF7A  }
0x26: {  	[smem:$0x3F99] =	sst s1;
	(tag) =	ssettag s2;
	_ =	strace s9  }
0x27: {  	s1 =	sld [smem:$0x3FA9]  }
0x28: {  	s2 =	sld [smem:$0x3FAA]  }
0x29: {  	s4 =	sld [smem:$0x3FAC]  }
0x2a: {  	p0 =	seq.s32 s5, $0x0;
	s5 =	sld [smem:$0x3FAD]  }
0x2b: {  	s6 =	sld [smem:$0x3FAE]  }
0x2c: {  	s7 =	sld [smem:$0x3FAF]  }
0x2d: {  	s3 =	simm.s32 $0x108;
	s8 =	sld [smem:$0x3FB0]  }
0x2e: {  	s3 =	simm.s32 @!p0 $0x1082;
	s9 =	sld [smem:$0x3FB1]  }
0x2f: {  	lr =	sadd.s32 s0, s3;
	s0 =	sld [smem:$0x3FA8]  }
0x30: {  	s3 =	sld [smem:$0x3FAB]  }
0x31: {  	[smem:$0x3FB4] =	sst s10  }
0x32: {  	s10 =	sld [smem:$0x3FB2];
	_ =	sdelay $0x3  }
0x33: {  	p0 =	seq.s32 s10, $0x1;
	s10 =	sld [smem:$0x3FB4];
	_ =	sdelay $0x3  }
0x34: {  	[smem:$0x3FB4] =	sst s10  }
0x35: {  	s10 =	sld [smem:$0x3FB3];
	_ =	sdelay $0x3  }
0x36: {  	p1 =	seq.s32 s10, $0x1;
	s10 =	sld [smem:$0x3FB4];
	_ =	sdelay $0x3  }
0x37: {  	[smem:$0x3FB4] =	sst s10  }
0x38: {  	s10 =	sld [smem:$0x3FB5]  }
0x39: {  	_ = 	snop;
	(pc) =	sbr.ind lr, $3  }
0x3a: {  	_ = 	snop  }
0x3b: {  	_ = 	snop  }
0x3c: {  	p2 =	seq.s32 s10, $0x1;
	s10 =	sld [smem:$0x3FB4]  }
0x3d: {  	_ =	shalt  }
0x3e: {  	_ =	shalt  }
0x3f: {  	_ =	shalt  }
0x40: {  	_ =	shalt  }
0x41: {  	_ =	shalt  }
0x42: {  	_ =	shalt  }
0x43: {  	_ =	shalt  }
0x44: {  	_ =	shalt  }
0x45: {  	_ =	shalt  }
0x46: {  	_ =	shalt  }
0x47: {  	_ =	shalt  }
0x48: {  	_ =	shalt  }
0x49: {  	_ =	shalt  }
0x4a: {  	_ =	shalt  }
0x4b: {  	_ =	shalt  }
0x4c: {  	_ =	shalt  }
0x4d: {  	_ =	shalt  }
0x4e: {  	_ =	shalt  }
0x4f: {  	_ =	shalt  }
0x50: {  	_ =	shalt  }
0x51: {  	_ =	shalt  }
0x52: {  	_ =	shalt  }
0x53: {  	_ =	shalt  }
0x54: {  	_ =	shalt  }
0x55: {  	_ =	shalt  }
0x56: {  	_ =	shalt  }
0x57: {  	_ =	shalt  }
0x58: {  	_ =	shalt  }
0x59: {  	_ =	shalt  }
0x5a: {  	_ =	shalt  }
0x5b: {  	_ =	shalt  }
0x5c: {  	_ =	shalt  }
0x5d: {  	_ =	shalt  }
0x5e: {  	_ =	shalt  }
0x5f: {  	_ =	shalt  }
0x60: {  	_ =	shalt  }
0x61: {  	_ =	shalt  }
0x62: {  	_ =	shalt  }
0x63: {  	_ =	shalt  }
0x64: {  	_ =	shalt  }
0x65: {  	_ =	shalt  }
0x66: {  	_ =	shalt  }
0x67: {  	_ =	shalt  }
0x68: {  	_ =	shalt  }
0x69: {  	_ =	shalt  }
0x6a: {  	_ =	shalt  }
0x6b: {  	_ =	shalt  }
0x6c: {  	_ =	shalt  }
0x6d: {  	_ =	shalt  }
0x6e: {  	_ =	shalt  }
0x6f: {  	_ =	shalt  }
0x70: {  	_ =	shalt  }
0x71: {  	_ =	shalt  }
0x72: {  	_ =	shalt  }
0x73: {  	_ =	shalt  }
0x74: {  	_ =	shalt  }
0x75: {  	_ =	shalt  }
0x76: {  	_ =	shalt  }
0x77: {  	_ =	shalt  }
0x78: {  	_ =	shalt  }
0x79: {  	_ =	shalt  }
0x7a: {  	_ =	shalt  }
0x7b: {  	_ =	shalt  }
0x7c: {  	_ =	shalt  }
0x7d: {  	_ =	shalt  }
0x7e: {  	_ =	shalt  }
0x7f: {  	_ =	shalt  }
0x80: {  	_ =	shalt  }
0x81: {  	_ =	shalt  }
0x82: {  	_ =	shalt  }
0x83: {  	_ =	shalt  }
0x84: {  	_ =	shalt  }
0x85: {  	_ =	shalt  }
0x86: {  	_ =	shalt  }
0x87: {  	_ =	shalt  }
.Lfunc_end0:
.L_simem_size_0:
called_computation_lowered:
.L_overlay_start_0:
0x88: {  	s2 =	sld [smem:$0x3FD9]  }
0x89: {  	s3 =	sld [smem:$0x3FFE];
	_ =	sdelay $0x1  }
0x8a: {  	s1 =	srdreg.scid  }
0x8b: {  	s0 =	sand.u32 $0x1, s1  }
0x8c: {  	s16 =	sshll.u32 s0, $0xA;
	s2 =	sadd.s32 s3, s2  }
0x8d: {  	s2 =	sadd.s32 s2, s16  }
0x8e: {  	[smem:$0x3FC0] =	sst s2  }
0x8f: {  	_ = 	snop  }
0x90: {  	(tm) =	ssettm $0x1  }
0x91: {  	s17 =	sld [smem:$0x3FFB];
	_ =	sdelay $0x3  }
0x92: {  	_ =	strace s17  }
0x93: {  	s2 =	sld [smem:$0x3FFC];
	_ =	sdelay $0x3  }
0x94: {  	_ =	strace s2  }
0x95: {  	s2 =	sld [smem:$0x3FFD];
	_ =	sdelay $0x3  }
0x96: {  	_ =	strace s2  }
0x97: {  	_ =	strace $0x8FFFFFFF  }
0x98: {  	s18 =	sld [smem:$0x3FDB];
	_ =	sdelay $0x1  }
0x99: {  	s19 =	simm.s32 $_scs_section_size  }
0x9a: {  	s4 =	simm.s32 $_size__tile_overlayer_lowered;
	s5 =	simm.s32 $_tile_overlayer_lowered  }
0x9b: {  	s22 =	simm.s32 $0x1BFF;
	s21 =	sshll.u32 s5, $0x1;
	s2 =	sadd.s32 s19, s18  }
0x9c: {  	s6 =	simm.s32 $0x0;
	s20 =	sshll.u32 s4, $0x1;
	s4 =	sadd.s32 s21, s2  }
0x9d: {  	[timem:s6], [sflag:s22] =	dma.local [hbm:s4], s20  }
0x9e: {  	_ =	swait.ge [sflag:s22], s20  }
0x9f: {  	s3 =	ssub.s32 $0x0, s20;
	[sflag:s22] =	ssyncset.done $0x0  }
0xa0: {  	[sflag:s22] =	ssyncadd.s32 s3;
	_ =	sdelay $0x1  }
0xa1: {  	s23 =	simm.s32 $0x1B8B  }
0xa2: {  	_ =	swait.ge [sflag:s23], $0x1  }
0xa3: {  	[sflag:s23] =	ssyncset.done $0x0  }
0xa4: {  	s25 =	simm.s32 $0x1B8E;
	s24 =	sld [smem:$0x3FFE];
	[sflag:s23] =	ssyncadd.s32 $0xFFFFFFFF  }
0xa5: {  	s26 =	simm.s32 $execute0_lowered;
	[smem:$0x3FD2] =	sst s25  }
0xa6: {  	s4 =	sshll.u32 s26, $0x1;
	_ =	strace $0x80000046;
	[dreg:$0x1] =	wrdreg $0xFFFFFFFF  }
0xa7: {  	s28 =	simm.s32 $_size_execute0_lowered;
	s2 =	sadd.s32 s2, s4;
	[dreg:$0x0] =	wrdreg $0x0  }
0xa8: {  	s4 =	sshll.u32 s28, $0x1;
	[dreg:$0x2] =	wrdreg s2  }
0xa9: {  	[dreg:$0x3] =	wrdreg s4  }
0xaa: {  	[dreg:$0x4] =	wrdreg $0xC0  }
0xab: {  	_ =	task [dreg:s6], $0x5FFFF  }
0xac: {  	[dreg:$0x1] =	wrdreg $0xFFFFFFFF  }
0xad: {  	[dreg:$0x0] =	wrdreg $0x60  }
0xae: {  	[dreg:$0x2] =	wrdreg s24  }
0xaf: {  	[dreg:$0x3] =	wrdreg $0x9  }
0xb0: {  	_ =	task.clear_ibuf [dreg:s6], $0x4FFFF;
	_ =	strace $0x90000046  }
0xb1: {  	s29 =	simm.s32 $0x9;
	_ =	strace $0x80000048  }
0xb2: {  	_ =	swait.ge [sflag:s29], $0x1  }
0xb3: {  	[sflag:s29] =	ssyncadd.s32 $0xFFFFFFFF  }
0xb4: {  	_ =	strace $0x90000048  }
0xb5: {  	_ =	sfence  }
0xb6: {  	s30 =	sld [smem:$0x0];
	_ =	sdelay $0x2  }
0xb7: {  	s31 =	sshll.u32 s1, $0xD;
	s1 =	sshrl.u32 s1, $0x2  }
0xb8: {  	s3 =	sand.u32 $0x4000, s31;
	s1 =	sadd.s32 s1, s30  }
0xb9: {  	s0 =	sor.u32 s3, s0;
	s1 =	sshll.u32 s1, $0x11  }
0xba: {  	s0 =	sor.u32 s1, s0  }
0xbb: {  	s0 =	sadd.s32 $0x8F2B, s0  }
0xbc: {  	[sflag:s0] =	ssyncadd.remote.s32 $0x1  }
0xbd: {  	_ =	sfence.sel $0xFFFF  }
0xbe: {  	[dreg:$0x0] =	wrdreg $0xFFFFFFFF;
	(pc) =	sbr.abs _section_cstart, $3  }
0xbf: {  	[dreg:$0x1] =	wrdreg $0xFFFFFFFF  }
0xc0: {  	_ =	task.clear_ibuf [dreg:s6], $0x2FFFF;
	_ =	strace $0x9FFFFFFF  }
0xc1: {  	(tm) =	ssettm $0x7FFFFFFF  }
tec
execute0_lowered:
.L_overlay_start_1:
0x0: {  	(tag) =	ssettag $0x1  }
0x1: {  	s1 =	srdreg.scid  }
0x2: {  	s0 =	stileid.u32;
	s4 =	rddreg [dreg:$0x0]  }
0x3: {  	s2 =	simm.s32 $0x0;
	s9 =	simm.s32 $0x6800;
	s10 =	simm.s32 $0x68  }
0x4: {  	s11 =	simm.s32 $0x8100;
	s12 =	simm.s32 $0x1;
	s13 =	simm.s32 $0x2  }
0x5: {  	s14 =	simm.s32 $0x9A00;
	s3 =	sand.u32 $0x1, s1;
	s1 =	rddreg [dreg:$0x1]  }
0x6: {  	s15 =	simm.s32 $0x0;
	s5 =	sshll.u32 s0, $0x1;
	[smem:$0x7FF] =	sst s2  }
0x7: {  	s5 =	sor.u32 s3, s5;
	_ =	strace $0x80000047;
	s7 =	ssub.s32 $0x2, s3  }
0x8: {  	s6 =	smul.u32 $0xD00, s5;
	s5 =	sshll.u32 s5, $0xA;
	s8 =	sshrl.u32 s7, $0x1  }
0x9: {  	s3 =	sadd.s32 $0x1B000, s4;
	s5 =	sadd.s32 s5, s4;
	s7 =	ssub.s32 s7, s8  }
0xa: {  	s8 =	simm.s32 $0x64;
	s6 =	sadd.s32 s6, s4;
	s5 =	sadd.s32 $0x7DB800, s5  }
0xb: {  	s4 =	sadd.s32 $0x1000, s6;
	s6 =	smax.u32 s7, $0x1;
	s7 =	simm.s32 $0x3  }
.LBB2_1:
0xc: {  	[tilespmem:s2], [sflag:$0x3] =	stream.linear.gather [hbm4b:s4+s2], $0x6800, $0x38;
	[tilespmem:$0xBA00] =	vst v63  }
0xd: {  	_ =	swait.ge [sflag:s7], $0x6800  }
0xe: {  	[sflag:s7] =	ssyncset.done $0x0  }
0xf: {  	[sflag:s7] =	ssyncadd.s32 $0xFFFF9800  }
0x10: {  	[tilespmem:s9], [sflag:$0x1] =	stream.indirect.gather [hbm4b:s3+s8], $0x40, s2, s8, $0xb8;
	[tilespmem:$0xBA00] =	vst v63  }
0x11: {  	s16 =	simm.s32 $0x0  }
0x12: {  	[tilespmem:s11], [sflag:$0x2] =	stream.indirect.gather [hbm4b:s3+s8], $0x40, s10, s8, $0xb8;
	[tilespmem:$0xBA00] =	vst v63  }
.LBB2_2:
0x13: {  	_ =	swait.ge [sflag:s12], $0x1900  }
0x14: {  	[sflag:s12] =	ssyncset.done $0x0  }
0x15: {  	s18 =	simm.s32 $0x6840;
	[sflag:s12] =	ssyncadd.s32 $0xFFFFE700  }
0x16: {  	v0 =	vld [tilespmem:s18+$0x0]  }
0x17: {  	v3 =	vld [tilespmem:s18+$0x10]  }
0x18: {  	v1 =	vld [tilespmem:s18+$0xFFFFFFC0]  }
0x19: {  	v4 =	vld [tilespmem:s18+$0xFFFFFFD0]  }
0x1a: {  	v5 =	vld [tilespmem:s18+$0xFFFFFFE0]  }
0x1b: {  	v7 =	vld [tilespmem:s18+$0xFFFFFFF0]  }
0x1c: {  	v10 =	vimm.f32 $0.0e+00;
	v2 =	vld [tilespmem:s18+$0x20]  }
0x1d: {  	s17 =	simm.s32 $0x0;
	v15 =	vimm.f32 $0.0e+00;
	v13 =	vimm.f32 $0.0e+00;
	v14 =	vimm.f32 $0.0e+00;
	v6 =	vld [tilespmem:s18+$0x30];
	s18 =	simm.s32 $0x68C0  }
.LBB2_3:
0x1e: {  	v8 =	vld [tilespmem:s18+$0x0]  }
0x1f: {  	v10 =	vadd.f32 v1, v10;
	v11 =	vadd.f32 v4, v15;
	s17 =	sadd.s32 $0x2, s17;
	v9 =	vld [tilespmem:s18+$0x10]  }
0x20: {  	v12 =	vadd.f32 v5, v13;
	p0 =	slt.u32 s17, $0x62;
	v1 =	vld [tilespmem:s18+$0xFFFFFFC0];
	v7 =	vadd.f32 v7, v14  }
.Ltmp0:
0x21: {  	v10 =	vadd.f32 v0, v10;
	v15 =	vadd.f32 v3, v11;
	v4 =	vld [tilespmem:s18+$0xFFFFFFD0];
	(pc) =	sbr.rel @p0 .LBB2_3-.Ltmp0, $4  }
0x22: {  	v13 =	vadd.f32 v2, v12;
	v5 =	vld [tilespmem:s18+$0xFFFFFFE0];
	v14 =	vadd.f32 v6, v7  }
0x23: {  	v7 =	vld [tilespmem:s18+$0xFFFFFFF0];
	v0 =	vmov v8  }
0x24: {  	v2 =	vld [tilespmem:s18+$0x20];
	v3 =	vmov v9  }
0x25: {  	v6 =	vld [tilespmem:s18+$0x30];
	s18 =	sadd.s32 $0x80, s18  }
0x26: {  	p0 =	seq.s32 s16, $0x7F  }
0x27: {  	s17 =	smul.u32 @!p0 $0x340, s16;
	_ =	sdelay $0x1  }
0x28: {  	s17 =	sshra.s32 @!p0 s17, $0x2  }
0x29: {  	s19 =	simm.s32 @!p0 $0x64;
	s20 =	simm.s32 @!p0 $0x6800;
	s18 =	sadd.s32 @!p0 $0xD0, s17  }
0x2a: {  	[tilespmem:s20], [sflag:$0x1] =	stream.indirect.gather @!p0 [hbm4b:s3+s19], $0x40, s18, s19, $0xb8;
	[tilespmem:$0xBA00] =	vst v63  }
0x2b: {  	_ =	swait.ge [sflag:s13], $0x1900  }
0x2c: {  	[sflag:s13] =	ssyncset.done $0x0  }
0x2d: {  	s31 =	simm.s32 $0x8170;
	[sflag:s13] =	ssyncadd.s32 $0xFFFFE700  }
0x2e: {  	v8 =	vld [tilespmem:s31+$0xFFFFFFD0]  }
0x2f: {  	v9 =	vld [tilespmem:s31+$0xFFFFFFE0]  }
0x30: {  	v11 =	vld [tilespmem:s31+$0xFFFFFF90]  }
0x31: {  	v12 =	vld [tilespmem:s31+$0xFFFFFFA0]  }
0x32: {  	v10 =	vadd.f32 v1, v10;
	v15 =	vadd.f32 v4, v15;
	v1 =	vld [tilespmem:s31+$0xFFFFFFB0]  }
0x33: {  	v13 =	vadd.f32 v5, v13;
	v14 =	vadd.f32 v7, v14;
	v4 =	vld [tilespmem:s31+$0xFFFFFFC0]  }
0x34: {  	v10 =	vadd.f32 v0, v10;
	v5 =	vadd.f32 v3, v15;
	v0 =	vld [tilespmem:s31+$0xFFFFFFF0]  }
0x35: {  	v7 =	vadd.f32 v2, v13;
	v3 =	vadd.f32 v6, v14;
	s18 =	simm.s32 $0x0;
	s19 =	simm.s32 $0x81F0;
	v2 =	vld [tilespmem:s31+$0x0]  }
.LBB2_5:
0x36: {  	v6 =	vld [tilespmem:s19+$0xFFFFFFD0]  }
0x37: {  	v10 =	vadd.f32 v11, v10;
	v5 =	vadd.f32 v12, v5;
	s18 =	sadd.s32 $0x2, s18;
	v13 =	vld [tilespmem:s19+$0xFFFFFFE0]  }
0x38: {  	v7 =	vadd.f32 v1, v7;
	p1 =	slt.u32 s18, $0x62;
	v11 =	vld [tilespmem:s19+$0xFFFFFF90];
	v3 =	vadd.f32 v4, v3  }
.Ltmp1:
0x39: {  	v10 =	vadd.f32 v8, v10;
	v5 =	vadd.f32 v9, v5;
	v12 =	vld [tilespmem:s19+$0xFFFFFFA0];
	(pc) =	sbr.rel @p1 .LBB2_5-.Ltmp1, $4  }
0x3a: {  	v7 =	vadd.f32 v0, v7;
	v1 =	vld [tilespmem:s19+$0xFFFFFFB0];
	v3 =	vadd.f32 v2, v3  }
0x3b: {  	v4 =	vld [tilespmem:s19+$0xFFFFFFC0];
	v8 =	vmov v6  }
0x3c: {  	v0 =	vld [tilespmem:s19+$0xFFFFFFF0];
	v9 =	vmov v13  }
0x3d: {  	v2 =	vld [tilespmem:s19+$0x0];
	s19 =	sadd.s32 $0x80, s19  }
0x3e: {  	s17 =	sadd.s32 @!p0 $0x138, s17;
	s18 =	simm.s32 @!p0 $0x64  }
0x3f: {  	v6 =	vadd.f32 v11, v10;
	s19 =	simm.s32 @!p0 $0x8100;
	s31 =	sshll.u32 s16, $0x6;
	s16 =	sadd.s32 $0x1, s16  }
0x40: {  	v5 =	vadd.f32 v12, v5;
	[tilespmem:s19], [sflag:$0x2] =	stream.indirect.gather @!p0 [hbm4b:s3+s18], $0x40, s17, s18, $0xb8;
	[tilespmem:$0xBA00] =	vst v63  }
0x41: {  	v1 =	vadd.f32 v1, v7;
	p0 =	sne.s32 s16, $0x80;
	v6 =	vadd.f32 v8, v6  }
.Ltmp2:
0x42: {  	s17 =	sand.u32 $0x3FFFFFC0, s31;
	v3 =	vadd.f32 v4, v3;
	v62 =	vadd.f32 v9, v5;
	(pc) =	sbr.rel @p0 .LBB2_2-.Ltmp2, $4  }
0x43: {  	v0 =	vadd.f32 v0, v1;
	[tilespmem:s17+$0x9A00] =	vst v6  }
0x44: {  	v63 =	vadd.f32 v2, v3;
	[tilespmem:s17+$0x9A10] =	vst v62  }
0x45: {  	[tilespmem:s17+$0x9A20] =	vst v0  }
0x46: {  	[tilespmem:s17+$0x9A30] =	vst v63  }
0x47: {  	s15 =	sadd.s32 $0x1, s15  }
0x48: {  	p0 =	sne.s32 s15, s6  }
.Ltmp3:
0x49: {  	_ = 	snop;
	(pc) =	sbr.rel @p0 .LBB2_1-.Ltmp3, $4  }
0x4a: {  	[hbm4b:s5+s2] =	stream.linear.scatter [tilespmem:s14], [sflag:$0x3], $0x2000, $0x38;
	[tilespmem:$0xBA00] =	vst v63  }
0x4b: {  	_ =	swait.ge [sflag:s7], $0x2000  }
0x4c: {  	[sflag:s7] =	ssyncset.done $0x0  }
0x4d: {  	[sflag:s7] =	ssyncadd.s32 $0xFFFFE000  }
0x4e: {  	_ =	sfence.sel $0x180000  }
0x4f: {  	[bflag:$0x0] =	sbarrier.arrive $0xFFFF  }
0x50: {  	p0 =	sne.s32 s0, $0x0;
	_ =	strace $0x90000047  }
0x51: {  	s0 =	sadd.s32 @!p0 $0x100000, s1;
	[bflag:$0x2] =	sbarrier.arrive $0xFFFF  }
0x52: {  	[sflag:s0] =	ssyncadd.tile.s32 @!p0 $0x1;
	_ =	shalt  }
.Lfunc_end2:
_tile_overlayer_lowered:
.L_overlay_start_2:
0x53: {  	(tag) =	ssettag $0x2  }
0x54: {  	s0 =	rddreg [dreg:$0x0];
	s2 =	stileid.u32  }
0x55: {  	s1 =	rddreg [dreg:$0x1];
	p0 =	sne.s32 s2, $0x0  }
0x56: {  	s3 =	rddreg [dreg:$0x2];
	[bflag:$0x3] =	sbarrier.arrive $0xFFFF;
	s2 =	simm.s32 @!p0 $0x1C03  }
0x57: {  	[timem:s3], [sflag:s2] =	dma.local @!p0 [hbm:s0], s1  }
0x58: {  	s0 =	simm.s32 @!p0 $0x3  }
0x59: {  	_ =	swait.ge @!p0 [sflag:s0], s1  }
0x5a: {  	s1 =	ssub.s32 @!p0 $0x0, s1;
	[sflag:s0] =	ssyncset.done @!p0 $0x0  }
0x5b: {  	[sflag:s0] =	ssyncadd.s32 @!p0 s1  }
0x5c: {  	[bflag:$0x3] =	sbarrier.arrive $0xFFFF  }
0x5d: {  	_ =	shalt  }

</sc_bundles>
